<compile_context>
chip_gen: v7x
topology: tpu7x:2x2x1
jax: 0.10.2.dev20260603
libtpu: 0.0.44.dev20260713+nightly
codegen_flags: <defaults>
</compile_context>

<pallas_src>
import functools

import jax
import jax.numpy as jnp
from jax import lax
from jax.experimental import pallas as pl
from jax.experimental.pallas import tpu as pltpu
from jax.experimental.pallas import tpu_sc as plsc

_VOCAB = 1000000
_EMB = 64
_B = 16384
_L = 50

_info = plsc.get_sparse_core_info()
_NC = _info.num_cores
_NS = _info.num_subcores
_NW = _NC * _NS
_BPW = _B // _NW
_CHUNK = 128
_NCHUNK = _BPW // _CHUNK
_NXFER = _L * _NCHUNK
_DEPTH = 8


def _fire(t, weight_hbm, idx_v, acc_v, sem):
    k = t % _L
    c = t // _L
    pltpu.async_copy(
        weight_hbm.at[idx_v.at[k, c]],
        acc_v.at[pl.ds(c * _CHUNK, _CHUNK)],
        sem,
        add=True,
    )


def _drain(weight_hbm, idx_v, acc_v, sem):
    pltpu.make_async_copy(
        weight_hbm.at[idx_v.at[0, 0]],
        acc_v.at[pl.ds(0, _CHUNK)],
        sem,
    ).wait()


def _emb_body(seg_hbm, weight_hbm, out_hbm, idx_v, acc_v, sem):
    wid = lax.axis_index("s") * _NC + lax.axis_index("c")

    pltpu.sync_copy(seg_hbm.at[wid], idx_v)

    zeros = jnp.zeros((16,), jnp.float32)

    def zbody(i, _):
        for j in range(_EMB // 16):
            acc_v[i, pl.ds(j * 16, 16)] = zeros
        return 0

    lax.fori_loop(0, _BPW, zbody, 0)

    for t in range(_DEPTH):
        _fire(t, weight_hbm, idx_v, acc_v, sem)

    def pbody(t, _):
        _drain(weight_hbm, idx_v, acc_v, sem)
        _fire(t + _DEPTH, weight_hbm, idx_v, acc_v, sem)
        return 0

    lax.fori_loop(0, _NXFER - _DEPTH, pbody, 0)

    for _ in range(_DEPTH):
        _drain(weight_hbm, idx_v, acc_v, sem)

    inv = jnp.float32(1.0 / _L)

    def sbody(i, _):
        for j in range(_EMB // 16):
            sl = pl.ds(j * 16, 16)
            acc_v[i, sl] = acc_v[i, sl] * inv
        return 0

    lax.fori_loop(0, _BPW, sbody, 0)

    pltpu.sync_copy(acc_v, out_hbm.at[pl.ds(wid * _BPW, _BPW)])


_emb_kernel = functools.partial(
    pl.kernel,
    out_type=jax.ShapeDtypeStruct((_B, _EMB), jnp.float32),
    mesh=plsc.VectorSubcoreMesh(core_axis_name="c", subcore_axis_name="s"),
    scratch_types=[
        pltpu.VMEM((_L, _NCHUNK, _CHUNK), jnp.int32),
        pltpu.VMEM((_BPW, _EMB), jnp.float32),
        pltpu.SemaphoreType.DMA,
    ],
    compiler_params=pltpu.CompilerParams(use_tc_tiling_on_sc=False),
)(_emb_body)


def kernel(seg_ids, weight):
    seg_r = (
        seg_ids.reshape(_NW, _BPW, _L)
        .transpose(0, 2, 1)
        .reshape(_NW, _L, _NCHUNK, _CHUNK)
    )
    return _emb_kernel(seg_r, weight)

# --- scband reference (transcript-rebuilt; emitter-appended) ---
"""Pipeline reference for scband-embedding-encoder-3547642986552 (READ-ONLY COPY).

The authoritative reference and input builder live on the scoring server;
editing this copy changes nothing except your own understanding.
"""

import jax, jax.numpy as jnp
import numpy as np

VOCAB = 1000000
EMB = 64
B = 16384
L = 50

def setup_inputs(seed: int = 0) -> dict:
    key = jax.random.key(seed)
    k1, k2 = jax.random.split(key)
    seg_ids = jax.random.randint(k1, (B, L), 0, VOCAB, dtype=jnp.int64 if jax.config.jax_enable_x64 else jnp.int32).astype(jnp.int32)
    # xavier_uniform init for EmbeddingBag weight
    bound = float(np.sqrt(6.0 / (VOCAB + EMB)))
    weight = jax.random.uniform(k2, (VOCAB, EMB), dtype=jnp.float32, minval=-bound, maxval=bound)
    return {"seg_ids": seg_ids, "weight": weight}

def reference(seg_ids, weight):
    # nn.EmbeddingBag default mode='mean'; offsets = arange(0, B*L, L)
    # so each bag is one row of seg_ids: gather then mean over L.
    gathered = jnp.take(weight, seg_ids.reshape(-1), axis=0)  # [B*L, EMB]
    gathered = gathered.reshape(seg_ids.shape[0], seg_ids.shape[1], -1)
    enc = jnp.mean(gathered, axis=1)  # [B, EMB]
    return enc

if __name__ == "__main__":
    import jax
    _d = setup_inputs()
    print(jax.jit(kernel)(*tuple(_d.values())))

</pallas_src>

<mosaic_0001>
#map = affine_map<(d0, d1) -> (0, 0, 0, 0)>
#map1 = affine_map<(d0, d1) -> (0, 0)>
module attributes {stable_mosaic.version = 14 : i64} {
  func.func @_emb_body(%arg0: i32, %arg1: i32, %arg2: memref<32x50x4x128xi32, #tpu.memory_space<hbm>>, %arg3: memref<1000000x64xf32, #tpu.memory_space<hbm>>, %arg4: memref<16384x64xf32, #tpu.memory_space<hbm>>, %arg5: memref<50x4x128xi32, #tpu.memory_space<vmem>>, %arg6: memref<512x64xf32, #tpu.memory_space<vmem>>, %arg7: memref<!tpu.dma_semaphore, #tpu.memory_space<semaphore_mem>>) attributes {dimension_semantics = [#tpu.dimension_semantics<core_parallel>, #tpu.dimension_semantics<subcore_parallel>], iteration_bounds = array<i64: 2, 16>, scalar_prefetch = 0 : i64, scratch_operands = 3 : i64, tpu.core_type = #tpu.core_type<sc_vector_subcore>, window_params = [{transform_indices = #map}, {transform_indices = #map1}, {transform_indices = #map1}]} {
    %mul3A = arith.constant 2 : i32
    %mul3A_0 = arith.muli %arg1, %mul3A : i32
    %add3A = arith.addi %mul3A_0, %arg0 : i32
    "tpu.region"() ({
      %run_scoped3A = tpu.sem_alloc : memref<!tpu.dma_semaphore, #tpu.memory_space<semaphore_mem>>
      %dma_start3A_199 = arith.constant 0 : i32
      %dma_start3A_200 = arith.constant 0 : i32
      %dma_start3A_201 = arith.constant 0 : i32
      %dma_start3A_202 = tpu.memref_slice %arg2[%add3A, %dma_start3A_199, %dma_start3A_200, %dma_start3A_201] : memref<32x50x4x128xi32, #tpu.memory_space<hbm>> -> memref<1x50x4x128xi32, #tpu.memory_space<hbm>>
      %dma_start3A_203 = tpu.memref_squeeze %dma_start3A_202 : memref<1x50x4x128xi32, #tpu.memory_space<hbm>> -> memref<50x4x128xi32, #tpu.memory_space<hbm>>
      %dma_start3A_204 = arith.constant 0 : i32
      %dma_start3A_205 = arith.constant 0 : i32
      %dma_start3A_206 = arith.constant 0 : i32
      %dma_start3A_207 = tpu.memref_slice %arg2[%add3A, %dma_start3A_204, %dma_start3A_205, %dma_start3A_206] : memref<32x50x4x128xi32, #tpu.memory_space<hbm>> -> memref<1x50x4x128xi32, #tpu.memory_space<hbm>>
      %dma_start3A_208 = tpu.memref_squeeze %dma_start3A_207 : memref<1x50x4x128xi32, #tpu.memory_space<hbm>> -> memref<50x4x128xi32, #tpu.memory_space<hbm>>
      tpu.enqueue_dma source(%dma_start3A_208 : memref<50x4x128xi32, #tpu.memory_space<hbm>>) target(%arg5 : memref<50x4x128xi32, #tpu.memory_space<vmem>>) target_semaphore(%run_scoped3A : memref<!tpu.dma_semaphore, #tpu.memory_space<semaphore_mem>>)
      %dma_wait3A_209 = arith.constant 0 : i32
      %dma_wait3A_210 = arith.constant 0 : i32
      %dma_wait3A_211 = arith.constant 0 : i32
      %dma_wait3A_212 = tpu.memref_slice %arg2[%add3A, %dma_wait3A_209, %dma_wait3A_210, %dma_wait3A_211] : memref<32x50x4x128xi32, #tpu.memory_space<hbm>> -> memref<1x50x4x128xi32, #tpu.memory_space<hbm>>
      %dma_wait3A_213 = tpu.memref_squeeze %dma_wait3A_212 : memref<1x50x4x128xi32, #tpu.memory_space<hbm>> -> memref<50x4x128xi32, #tpu.memory_space<hbm>>
      %dma_wait3A_214 = arith.constant 0 : i32
      %dma_wait3A_215 = arith.constant 0 : i32
      %dma_wait3A_216 = arith.constant 0 : i32
      %dma_wait3A_217 = tpu.memref_slice %arg2[%add3A, %dma_wait3A_214, %dma_wait3A_215, %dma_wait3A_216] : memref<32x50x4x128xi32, #tpu.memory_space<hbm>> -> memref<1x50x4x128xi32, #tpu.memory_space<hbm>>
      %dma_wait3A_218 = tpu.memref_squeeze %dma_wait3A_217 : memref<1x50x4x128xi32, #tpu.memory_space<hbm>> -> memref<50x4x128xi32, #tpu.memory_space<hbm>>
      tpu.wait_dma2 semaphore(%run_scoped3A : memref<!tpu.dma_semaphore, #tpu.memory_space<semaphore_mem>>) src(%dma_wait3A_218 : memref<50x4x128xi32, #tpu.memory_space<hbm>>) dst(%arg5 : memref<50x4x128xi32, #tpu.memory_space<vmem>>)
      tpu.yield
    }) : () -> ()
    %broadcast_in_dim3A = arith.constant 0.000000e+00 : f32
    %broadcast_in_dim3A_1 = vector.broadcast %broadcast_in_dim3A : f32 to vector<16xf32>
    %scan3A = arith.constant 0 : i32
    %scan3A_2 = arith.constant 0 : i32
    %scan3A_3 = arith.constant 512 : i32
    %scan3A_4 = arith.addi %scan3A_2, %scan3A_3 : i32
    %scan3A_5 = arith.constant 1 : i32
    %scan3A_6 = scf.for %scan3A_199 = %scan3A_2 to %scan3A_4 step %scan3A_5 iter_args(%scan3A_200 = %scan3A) -> (i32)  : i32 {
      %swap3A = arith.index_cast %scan3A_199 : i32 to index
      %swap3A_201 = arith.constant 0 : index
      %swap3A_202 = tpu.vector_load %arg6[%swap3A, %swap3A_201] {strides = array<i32>} : memref<512x64xf32, #tpu.memory_space<vmem>>, vector<1x16xf32>,
      %swap3A_203 = vector.shape_cast %swap3A_202 : vector<1x16xf32> to vector<16xf32>
      %swap3A_204 = vector.shape_cast %broadcast_in_dim3A_1 : vector<16xf32> to vector<1x16xf32>
      tpu.vector_store %arg6[%swap3A, %swap3A_201], %swap3A_204 {strides = array<i32>} : memref<512x64xf32, #tpu.memory_space<vmem>>, vector<1x16xf32>,
      %swap3A_205 = arith.index_cast %scan3A_199 : i32 to index
      %swap3A_206 = arith.constant 16 : index
      %swap3A_207 = tpu.vector_load %arg6[%swap3A_205, %swap3A_206] {strides = array<i32>} : memref<512x64xf32, #tpu.memory_space<vmem>>, vector<1x16xf32>,
      %swap3A_208 = vector.shape_cast %swap3A_207 : vector<1x16xf32> to vector<16xf32>
      %swap3A_209 = vector.shape_cast %broadcast_in_dim3A_1 : vector<16xf32> to vector<1x16xf32>
      tpu.vector_store %arg6[%swap3A_205, %swap3A_206], %swap3A_209 {strides = array<i32>} : memref<512x64xf32, #tpu.memory_space<vmem>>, vector<1x16xf32>,
      %swap3A_210 = arith.index_cast %scan3A_199 : i32 to index
      %swap3A_211 = arith.constant 32 : index
      %swap3A_212 = tpu.vector_load %arg6[%swap3A_210, %swap3A_211] {strides = array<i32>} : memref<512x64xf32, #tpu.memory_space<vmem>>, vector<1x16xf32>,
      %swap3A_213 = vector.shape_cast %swap3A_212 : vector<1x16xf32> to vector<16xf32>
      %swap3A_214 = vector.shape_cast %broadcast_in_dim3A_1 : vector<16xf32> to vector<1x16xf32>
      tpu.vector_store %arg6[%swap3A_210, %swap3A_211], %swap3A_214 {strides = array<i32>} : memref<512x64xf32, #tpu.memory_space<vmem>>, vector<1x16xf32>,
      %swap3A_215 = arith.index_cast %scan3A_199 : i32 to index
      %swap3A_216 = arith.constant 48 : index
      %swap3A_217 = tpu.vector_load %arg6[%swap3A_215, %swap3A_216] {strides = array<i32>} : memref<512x64xf32, #tpu.memory_space<vmem>>, vector<1x16xf32>,
      %swap3A_218 = vector.shape_cast %swap3A_217 : vector<1x16xf32> to vector<16xf32>
      %swap3A_219 = vector.shape_cast %broadcast_in_dim3A_1 : vector<16xf32> to vector<1x16xf32>
      tpu.vector_store %arg6[%swap3A_215, %swap3A_216], %swap3A_219 {strides = array<i32>} : memref<512x64xf32, #tpu.memory_space<vmem>>, vector<1x16xf32>,
      %scan3A_220 = arith.constant 0 : i32
      scf.yield %scan3A_220 : i32
    }
    %scan3A_7 = arith.constant 512 : i32
    %dma_start3A = arith.constant 0 : i32
    %dma_start3A_8 = arith.constant 0 : i32
    %dma_start3A_9 = arith.constant 0 : i32
    %dma_start3A_10 = arith.constant 0 : i32
    %dma_start3A_11 = tpu.memref_slice %arg6[%dma_start3A_9, %dma_start3A_10] : memref<512x64xf32, #tpu.memory_space<vmem>> -> memref<128x64xf32, #tpu.memory_space<vmem>>
    %dma_start3A_12 = arith.constant 0 : i32
    %dma_start3A_13 = tpu.memref_slice %arg5[%dma_start3A, %dma_start3A_8, %dma_start3A_12] : memref<50x4x128xi32, #tpu.memory_space<vmem>> -> memref<1x1x128xi32, #tpu.memory_space<vmem>>
    %dma_start3A_14 = tpu.memref_squeeze %dma_start3A_13 : memref<1x1x128xi32, #tpu.memory_space<vmem>> -> memref<128xi32, #tpu.memory_space<vmem>>
    %dma_start3A_15 = arith.constant 0 : i32
    %dma_start3A_16 = arith.constant 0 : i32
    %dma_start3A_17 = tpu.memref_slice %arg3[%dma_start3A_15, %dma_start3A_16] : memref<1000000x64xf32, #tpu.memory_space<hbm>> -> memref<1000000x64xf32, #tpu.memory_space<hbm>>
    tpu.enqueue_indirect_dma source(%dma_start3A_17 : memref<1000000x64xf32, #tpu.memory_space<hbm>>) target(%dma_start3A_11 : memref<128x64xf32, #tpu.memory_space<vmem>>) offsets(%dma_start3A_14 : memref<128xi32, #tpu.memory_space<vmem>>) semaphore(%arg7 : memref<!tpu.dma_semaphore, #tpu.memory_space<semaphore_mem>>) {add = true}
    %dma_start3A_18 = arith.constant 1 : i32
    %dma_start3A_19 = arith.constant 0 : i32
    %dma_start3A_20 = arith.constant 0 : i32
    %dma_start3A_21 = arith.constant 0 : i32
    %dma_start3A_22 = tpu.memref_slice %arg6[%dma_start3A_20, %dma_start3A_21] : memref<512x64xf32, #tpu.memory_space<vmem>> -> memref<128x64xf32, #tpu.memory_space<vmem>>
    %dma_start3A_23 = arith.constant 0 : i32
    %dma_start3A_24 = tpu.memref_slice %arg5[%dma_start3A_18, %dma_start3A_19, %dma_start3A_23] : memref<50x4x128xi32, #tpu.memory_space<vmem>> -> memref<1x1x128xi32, #tpu.memory_space<vmem>>
    %dma_start3A_25 = tpu.memref_squeeze %dma_start3A_24 : memref<1x1x128xi32, #tpu.memory_space<vmem>> -> memref<128xi32, #tpu.memory_space<vmem>>
    %dma_start3A_26 = arith.constant 0 : i32
    %dma_start3A_27 = arith.constant 0 : i32
    %dma_start3A_28 = tpu.memref_slice %arg3[%dma_start3A_26, %dma_start3A_27] : memref<1000000x64xf32, #tpu.memory_space<hbm>> -> memref<1000000x64xf32, #tpu.memory_space<hbm>>
    tpu.enqueue_indirect_dma source(%dma_start3A_28 : memref<1000000x64xf32, #tpu.memory_space<hbm>>) target(%dma_start3A_22 : memref<128x64xf32, #tpu.memory_space<vmem>>) offsets(%dma_start3A_25 : memref<128xi32, #tpu.memory_space<vmem>>) semaphore(%arg7 : memref<!tpu.dma_semaphore, #tpu.memory_space<semaphore_mem>>) {add = true}
    %dma_start3A_29 = arith.constant 2 : i32
    %dma_start3A_30 = arith.constant 0 : i32
    %dma_start3A_31 = arith.constant 0 : i32
    %dma_start3A_32 = arith.constant 0 : i32
    %dma_start3A_33 = tpu.memref_slice %arg6[%dma_start3A_31, %dma_start3A_32] : memref<512x64xf32, #tpu.memory_space<vmem>> -> memref<128x64xf32, #tpu.memory_space<vmem>>
    %dma_start3A_34 = arith.constant 0 : i32
    %dma_start3A_35 = tpu.memref_slice %arg5[%dma_start3A_29, %dma_start3A_30, %dma_start3A_34] : memref<50x4x128xi32, #tpu.memory_space<vmem>> -> memref<1x1x128xi32, #tpu.memory_space<vmem>>
    %dma_start3A_36 = tpu.memref_squeeze %dma_start3A_35 : memref<1x1x128xi32, #tpu.memory_space<vmem>> -> memref<128xi32, #tpu.memory_space<vmem>>
    %dma_start3A_37 = arith.constant 0 : i32
    %dma_start3A_38 = arith.constant 0 : i32
    %dma_start3A_39 = tpu.memref_slice %arg3[%dma_start3A_37, %dma_start3A_38] : memref<1000000x64xf32, #tpu.memory_space<hbm>> -> memref<1000000x64xf32, #tpu.memory_space<hbm>>
    tpu.enqueue_indirect_dma source(%dma_start3A_39 : memref<1000000x64xf32, #tpu.memory_space<hbm>>) target(%dma_start3A_33 : memref<128x64xf32, #tpu.memory_space<vmem>>) offsets(%dma_start3A_36 : memref<128xi32, #tpu.memory_space<vmem>>) semaphore(%arg7 : memref<!tpu.dma_semaphore, #tpu.memory_space<semaphore_mem>>) {add = true}
    %dma_start3A_40 = arith.constant 3 : i32
    %dma_start3A_41 = arith.constant 0 : i32
    %dma_start3A_42 = arith.constant 0 : i32
    %dma_start3A_43 = arith.constant 0 : i32
    %dma_start3A_44 = tpu.memref_slice %arg6[%dma_start3A_42, %dma_start3A_43] : memref<512x64xf32, #tpu.memory_space<vmem>> -> memref<128x64xf32, #tpu.memory_space<vmem>>
    %dma_start3A_45 = arith.constant 0 : i32
    %dma_start3A_46 = tpu.memref_slice %arg5[%dma_start3A_40, %dma_start3A_41, %dma_start3A_45] : memref<50x4x128xi32, #tpu.memory_space<vmem>> -> memref<1x1x128xi32, #tpu.memory_space<vmem>>
    %dma_start3A_47 = tpu.memref_squeeze %dma_start3A_46 : memref<1x1x128xi32, #tpu.memory_space<vmem>> -> memref<128xi32, #tpu.memory_space<vmem>>
    %dma_start3A_48 = arith.constant 0 : i32
    %dma_start3A_49 = arith.constant 0 : i32
    %dma_start3A_50 = tpu.memref_slice %arg3[%dma_start3A_48, %dma_start3A_49] : memref<1000000x64xf32, #tpu.memory_space<hbm>> -> memref<1000000x64xf32, #tpu.memory_space<hbm>>
    tpu.enqueue_indirect_dma source(%dma_start3A_50 : memref<1000000x64xf32, #tpu.memory_space<hbm>>) target(%dma_start3A_44 : memref<128x64xf32, #tpu.memory_space<vmem>>) offsets(%dma_start3A_47 : memref<128xi32, #tpu.memory_space<vmem>>) semaphore(%arg7 : memref<!tpu.dma_semaphore, #tpu.memory_space<semaphore_mem>>) {add = true}
    %dma_start3A_51 = arith.constant 4 : i32
    %dma_start3A_52 = arith.constant 0 : i32
    %dma_start3A_53 = arith.constant 0 : i32
    %dma_start3A_54 = arith.constant 0 : i32
    %dma_start3A_55 = tpu.memref_slice %arg6[%dma_start3A_53, %dma_start3A_54] : memref<512x64xf32, #tpu.memory_space<vmem>> -> memref<128x64xf32, #tpu.memory_space<vmem>>
    %dma_start3A_56 = arith.constant 0 : i32
    %dma_start3A_57 = tpu.memref_slice %arg5[%dma_start3A_51, %dma_start3A_52, %dma_start3A_56] : memref<50x4x128xi32, #tpu.memory_space<vmem>> -> memref<1x1x128xi32, #tpu.memory_space<vmem>>
    %dma_start3A_58 = tpu.memref_squeeze %dma_start3A_57 : memref<1x1x128xi32, #tpu.memory_space<vmem>> -> memref<128xi32, #tpu.memory_space<vmem>>
    %dma_start3A_59 = arith.constant 0 : i32
    %dma_start3A_60 = arith.constant 0 : i32
    %dma_start3A_61 = tpu.memref_slice %arg3[%dma_start3A_59, %dma_start3A_60] : memref<1000000x64xf32, #tpu.memory_space<hbm>> -> memref<1000000x64xf32, #tpu.memory_space<hbm>>
    tpu.enqueue_indirect_dma source(%dma_start3A_61 : memref<1000000x64xf32, #tpu.memory_space<hbm>>) target(%dma_start3A_55 : memref<128x64xf32, #tpu.memory_space<vmem>>) offsets(%dma_start3A_58 : memref<128xi32, #tpu.memory_space<vmem>>) semaphore(%arg7 : memref<!tpu.dma_semaphore, #tpu.memory_space<semaphore_mem>>) {add = true}
    %dma_start3A_62 = arith.constant 5 : i32
    %dma_start3A_63 = arith.constant 0 : i32
    %dma_start3A_64 = arith.constant 0 : i32
    %dma_start3A_65 = arith.constant 0 : i32
    %dma_start3A_66 = tpu.memref_slice %arg6[%dma_start3A_64, %dma_start3A_65] : memref<512x64xf32, #tpu.memory_space<vmem>> -> memref<128x64xf32, #tpu.memory_space<vmem>>
    %dma_start3A_67 = arith.constant 0 : i32
    %dma_start3A_68 = tpu.memref_slice %arg5[%dma_start3A_62, %dma_start3A_63, %dma_start3A_67] : memref<50x4x128xi32, #tpu.memory_space<vmem>> -> memref<1x1x128xi32, #tpu.memory_space<vmem>>
    %dma_start3A_69 = tpu.memref_squeeze %dma_start3A_68 : memref<1x1x128xi32, #tpu.memory_space<vmem>> -> memref<128xi32, #tpu.memory_space<vmem>>
    %dma_start3A_70 = arith.constant 0 : i32
    %dma_start3A_71 = arith.constant 0 : i32
    %dma_start3A_72 = tpu.memref_slice %arg3[%dma_start3A_70, %dma_start3A_71] : memref<1000000x64xf32, #tpu.memory_space<hbm>> -> memref<1000000x64xf32, #tpu.memory_space<hbm>>
    tpu.enqueue_indirect_dma source(%dma_start3A_72 : memref<1000000x64xf32, #tpu.memory_space<hbm>>) target(%dma_start3A_66 : memref<128x64xf32, #tpu.memory_space<vmem>>) offsets(%dma_start3A_69 : memref<128xi32, #tpu.memory_space<vmem>>) semaphore(%arg7 : memref<!tpu.dma_semaphore, #tpu.memory_space<semaphore_mem>>) {add = true}
    %dma_start3A_73 = arith.constant 6 : i32
    %dma_start3A_74 = arith.constant 0 : i32
    %dma_start3A_75 = arith.constant 0 : i32
    %dma_start3A_76 = arith.constant 0 : i32
    %dma_start3A_77 = tpu.memref_slice %arg6[%dma_start3A_75, %dma_start3A_76] : memref<512x64xf32, #tpu.memory_space<vmem>> -> memref<128x64xf32, #tpu.memory_space<vmem>>
    %dma_start3A_78 = arith.constant 0 : i32
    %dma_start3A_79 = tpu.memref_slice %arg5[%dma_start3A_73, %dma_start3A_74, %dma_start3A_78] : memref<50x4x128xi32, #tpu.memory_space<vmem>> -> memref<1x1x128xi32, #tpu.memory_space<vmem>>
    %dma_start3A_80 = tpu.memref_squeeze %dma_start3A_79 : memref<1x1x128xi32, #tpu.memory_space<vmem>> -> memref<128xi32, #tpu.memory_space<vmem>>
    %dma_start3A_81 = arith.constant 0 : i32
    %dma_start3A_82 = arith.constant 0 : i32
    %dma_start3A_83 = tpu.memref_slice %arg3[%dma_start3A_81, %dma_start3A_82] : memref<1000000x64xf32, #tpu.memory_space<hbm>> -> memref<1000000x64xf32, #tpu.memory_space<hbm>>
    tpu.enqueue_indirect_dma source(%dma_start3A_83 : memref<1000000x64xf32, #tpu.memory_space<hbm>>) target(%dma_start3A_77 : memref<128x64xf32, #tpu.memory_space<vmem>>) offsets(%dma_start3A_80 : memref<128xi32, #tpu.memory_space<vmem>>) semaphore(%arg7 : memref<!tpu.dma_semaphore, #tpu.memory_space<semaphore_mem>>) {add = true}
    %dma_start3A_84 = arith.constant 7 : i32
    %dma_start3A_85 = arith.constant 0 : i32
    %dma_start3A_86 = arith.constant 0 : i32
    %dma_start3A_87 = arith.constant 0 : i32
    %dma_start3A_88 = tpu.memref_slice %arg6[%dma_start3A_86, %dma_start3A_87] : memref<512x64xf32, #tpu.memory_space<vmem>> -> memref<128x64xf32, #tpu.memory_space<vmem>>
    %dma_start3A_89 = arith.constant 0 : i32
    %dma_start3A_90 = tpu.memref_slice %arg5[%dma_start3A_84, %dma_start3A_85, %dma_start3A_89] : memref<50x4x128xi32, #tpu.memory_space<vmem>> -> memref<1x1x128xi32, #tpu.memory_space<vmem>>
    %dma_start3A_91 = tpu.memref_squeeze %dma_start3A_90 : memref<1x1x128xi32, #tpu.memory_space<vmem>> -> memref<128xi32, #tpu.memory_space<vmem>>
    %dma_start3A_92 = arith.constant 0 : i32
    %dma_start3A_93 = arith.constant 0 : i32
    %dma_start3A_94 = tpu.memref_slice %arg3[%dma_start3A_92, %dma_start3A_93] : memref<1000000x64xf32, #tpu.memory_space<hbm>> -> memref<1000000x64xf32, #tpu.memory_space<hbm>>
    tpu.enqueue_indirect_dma source(%dma_start3A_94 : memref<1000000x64xf32, #tpu.memory_space<hbm>>) target(%dma_start3A_88 : memref<128x64xf32, #tpu.memory_space<vmem>>) offsets(%dma_start3A_91 : memref<128xi32, #tpu.memory_space<vmem>>) semaphore(%arg7 : memref<!tpu.dma_semaphore, #tpu.memory_space<semaphore_mem>>) {add = true}
    %scan3A_95 = arith.constant 0 : i32
    %scan3A_96 = arith.constant 0 : i32
    %scan3A_97 = arith.constant 192 : i32
    %scan3A_98 = arith.addi %scan3A_96, %scan3A_97 : i32
    %scan3A_99 = arith.constant 1 : i32
    %scan3A_100 = scf.for %scan3A_199 = %scan3A_96 to %scan3A_98 step %scan3A_99 iter_args(%scan3A_200 = %scan3A_95) -> (i32)  : i32 {
      %dma_wait3A_201 = arith.constant 0 : i32
      %dma_wait3A_202 = arith.constant 0 : i32
      %dma_wait3A_203 = arith.constant 0 : i32
      %dma_wait3A_204 = arith.constant 0 : i32
      %dma_wait3A_205 = tpu.memref_slice %arg6[%dma_wait3A_203, %dma_wait3A_204] : memref<512x64xf32, #tpu.memory_space<vmem>> -> memref<128x64xf32, #tpu.memory_space<vmem>>
      %dma_wait3A_206 = arith.constant 0 : i32
      %dma_wait3A_207 = tpu.memref_slice %arg5[%dma_wait3A_201, %dma_wait3A_202, %dma_wait3A_206] : memref<50x4x128xi32, #tpu.memory_space<vmem>> -> memref<1x1x128xi32, #tpu.memory_space<vmem>>
      %dma_wait3A_208 = tpu.memref_squeeze %dma_wait3A_207 : memref<1x1x128xi32, #tpu.memory_space<vmem>> -> memref<128xi32, #tpu.memory_space<vmem>>
      %dma_wait3A_209 = arith.constant 0 : i32
      %dma_wait3A_210 = arith.constant 0 : i32
      %dma_wait3A_211 = tpu.memref_slice %arg3[%dma_wait3A_209, %dma_wait3A_210] : memref<1000000x64xf32, #tpu.memory_space<hbm>> -> memref<1000000x64xf32, #tpu.memory_space<hbm>>
      tpu.wait_indirect_dma semaphore(%arg7 : memref<!tpu.dma_semaphore, #tpu.memory_space<semaphore_mem>>) src(%dma_wait3A_211 : memref<1000000x64xf32, #tpu.memory_space<hbm>>) dst(%dma_wait3A_205 : memref<128x64xf32, #tpu.memory_space<vmem>>)
      %add3A_212 = arith.constant 8 : i32
      %add3A_213 = arith.addi %scan3A_199, %add3A_212 : i32
      %jit3A = arith.constant 50 : i32
      %eq3A = arith.constant 0 : i32
      %eq3A_214 = arith.cmpi eq, %jit3A, %eq3A : i32
      %jit3A_215 = arith.constant 1 : i32
      %select_n3A = arith.select %eq3A_214, %jit3A_215, %jit3A : i32
      %rem3A = arith.remsi %add3A_213, %select_n3A : i32
      %ne3A = arith.constant 0 : i32
      %ne3A_216 = arith.cmpi ne, %rem3A, %ne3A : i32
      %lt3A = arith.constant 0 : i32
      %lt3A_217 = arith.cmpi slt, %rem3A, %lt3A : i32
      %lt3A_218 = arith.constant 0 : i32
      %lt3A_219 = arith.cmpi slt, %select_n3A, %lt3A_218 : i32
      %ne3A_220 = arith.xori %lt3A_217, %lt3A_219 : i1
      %and3A = arith.andi %ne3A_220, %ne3A_216 : i1
      %add3A_221 = arith.addi %rem3A, %select_n3A : i32
      %select_n3A_222 = arith.select %and3A, %add3A_221, %rem3A : i32
      %jit3A_223 = arith.constant 50 : i32
      %div3A = arith.divsi %add3A_213, %jit3A_223 : i32
      %sign3A = arith.constant 0 : i32
      %sign3A_224 = arith.cmpi sgt, %add3A_213, %sign3A : i32
      %sign3A_225 = arith.extui %sign3A_224 : i1 to i32
      %sign3A_226 = arith.constant 0 : i32
      %sign3A_227 = arith.cmpi slt, %add3A_213, %sign3A_226 : i32
      %sign3A_228 = arith.extui %sign3A_227 : i1 to i32
      %sign3A_229 = arith.subi %sign3A_225, %sign3A_228 : i32
      %sign3A_230 = arith.constant 0 : i32
      %sign3A_231 = arith.cmpi sgt, %jit3A_223, %sign3A_230 : i32
      %sign3A_232 = arith.extui %sign3A_231 : i1 to i32
      %sign3A_233 = arith.constant 0 : i32
      %sign3A_234 = arith.cmpi slt, %jit3A_223, %sign3A_233 : i32
      %sign3A_235 = arith.extui %sign3A_234 : i1 to i32
      %sign3A_236 = arith.subi %sign3A_232, %sign3A_235 : i32
      %ne3A_237 = arith.cmpi ne, %sign3A_229, %sign3A_236 : i32
      %rem3A_238 = arith.remsi %add3A_213, %jit3A_223 : i32
      %ne3A_239 = arith.constant 0 : i32
      %ne3A_240 = arith.cmpi ne, %rem3A_238, %ne3A_239 : i32
      %and3A_241 = arith.andi %ne3A_237, %ne3A_240 : i1
      %sub3A = arith.constant 1 : i32
      %sub3A_242 = arith.subi %div3A, %sub3A : i32
      %select_n3A_243 = arith.select %and3A_241, %sub3A_242, %div3A : i32
      %mul3A_244 = arith.constant 128 : i32
      %mul3A_245 = arith.muli %select_n3A_243, %mul3A_244 : i32
      %dma_start3A_246 = arith.constant 0 : i32
      %dma_start3A_247 = tpu.memref_slice %arg6[%mul3A_245, %dma_start3A_246] : memref<512x64xf32, #tpu.memory_space<vmem>> -> memref<128x64xf32, #tpu.memory_space<vmem>>
      %dma_start3A_248 = arith.constant 0 : i32
      %dma_start3A_249 = tpu.memref_slice %arg5[%select_n3A_222, %select_n3A_243, %dma_start3A_248] : memref<50x4x128xi32, #tpu.memory_space<vmem>> -> memref<1x1x128xi32, #tpu.memory_space<vmem>>
      %dma_start3A_250 = tpu.memref_squeeze %dma_start3A_249 : memref<1x1x128xi32, #tpu.memory_space<vmem>> -> memref<128xi32, #tpu.memory_space<vmem>>
      %dma_start3A_251 = arith.constant 0 : i32
      %dma_start3A_252 = arith.constant 0 : i32
      %dma_start3A_253 = tpu.memref_slice %arg3[%dma_start3A_251, %dma_start3A_252] : memref<1000000x64xf32, #tpu.memory_space<hbm>> -> memref<1000000x64xf32, #tpu.memory_space<hbm>>
      tpu.enqueue_indirect_dma source(%dma_start3A_253 : memref<1000000x64xf32, #tpu.memory_space<hbm>>) target(%dma_start3A_247 : memref<128x64xf32, #tpu.memory_space<vmem>>) offsets(%dma_start3A_250 : memref<128xi32, #tpu.memory_space<vmem>>) semaphore(%arg7 : memref<!tpu.dma_semaphore, #tpu.memory_space<semaphore_mem>>) {add = true}
      %scan3A_254 = arith.constant 0 : i32
      scf.yield %scan3A_254 : i32
    }
    %scan3A_101 = arith.constant 192 : i32
    %dma_wait3A = arith.constant 0 : i32
    %dma_wait3A_102 = arith.constant 0 : i32
    %dma_wait3A_103 = arith.constant 0 : i32
    %dma_wait3A_104 = arith.constant 0 : i32
    %dma_wait3A_105 = tpu.memref_slice %arg6[%dma_wait3A_103, %dma_wait3A_104] : memref<512x64xf32, #tpu.memory_space<vmem>> -> memref<128x64xf32, #tpu.memory_space<vmem>>
    %dma_wait3A_106 = arith.constant 0 : i32
    %dma_wait3A_107 = tpu.memref_slice %arg5[%dma_wait3A, %dma_wait3A_102, %dma_wait3A_106] : memref<50x4x128xi32, #tpu.memory_space<vmem>> -> memref<1x1x128xi32, #tpu.memory_space<vmem>>
    %dma_wait3A_108 = tpu.memref_squeeze %dma_wait3A_107 : memref<1x1x128xi32, #tpu.memory_space<vmem>> -> memref<128xi32, #tpu.memory_space<vmem>>
    %dma_wait3A_109 = arith.constant 0 : i32
    %dma_wait3A_110 = arith.constant 0 : i32
    %dma_wait3A_111 = tpu.memref_slice %arg3[%dma_wait3A_109, %dma_wait3A_110] : memref<1000000x64xf32, #tpu.memory_space<hbm>> -> memref<1000000x64xf32, #tpu.memory_space<hbm>>
    tpu.wait_indirect_dma semaphore(%arg7 : memref<!tpu.dma_semaphore, #tpu.memory_space<semaphore_mem>>) src(%dma_wait3A_111 : memref<1000000x64xf32, #tpu.memory_space<hbm>>) dst(%dma_wait3A_105 : memref<128x64xf32, #tpu.memory_space<vmem>>)
    %dma_wait3A_112 = arith.constant 0 : i32
    %dma_wait3A_113 = arith.constant 0 : i32
    %dma_wait3A_114 = arith.constant 0 : i32
    %dma_wait3A_115 = arith.constant 0 : i32
    %dma_wait3A_116 = tpu.memref_slice %arg6[%dma_wait3A_114, %dma_wait3A_115] : memref<512x64xf32, #tpu.memory_space<vmem>> -> memref<128x64xf32, #tpu.memory_space<vmem>>
    %dma_wait3A_117 = arith.constant 0 : i32
    %dma_wait3A_118 = tpu.memref_slice %arg5[%dma_wait3A_112, %dma_wait3A_113, %dma_wait3A_117] : memref<50x4x128xi32, #tpu.memory_space<vmem>> -> memref<1x1x128xi32, #tpu.memory_space<vmem>>
    %dma_wait3A_119 = tpu.memref_squeeze %dma_wait3A_118 : memref<1x1x128xi32, #tpu.memory_space<vmem>> -> memref<128xi32, #tpu.memory_space<vmem>>
    %dma_wait3A_120 = arith.constant 0 : i32
    %dma_wait3A_121 = arith.constant 0 : i32
    %dma_wait3A_122 = tpu.memref_slice %arg3[%dma_wait3A_120, %dma_wait3A_121] : memref<1000000x64xf32, #tpu.memory_space<hbm>> -> memref<1000000x64xf32, #tpu.memory_space<hbm>>
    tpu.wait_indirect_dma semaphore(%arg7 : memref<!tpu.dma_semaphore, #tpu.memory_space<semaphore_mem>>) src(%dma_wait3A_122 : memref<1000000x64xf32, #tpu.memory_space<hbm>>) dst(%dma_wait3A_116 : memref<128x64xf32, #tpu.memory_space<vmem>>)
    %dma_wait3A_123 = arith.constant 0 : i32
    %dma_wait3A_124 = arith.constant 0 : i32
    %dma_wait3A_125 = arith.constant 0 : i32
    %dma_wait3A_126 = arith.constant 0 : i32
    %dma_wait3A_127 = tpu.memref_slice %arg6[%dma_wait3A_125, %dma_wait3A_126] : memref<512x64xf32, #tpu.memory_space<vmem>> -> memref<128x64xf32, #tpu.memory_space<vmem>>
    %dma_wait3A_128 = arith.constant 0 : i32
    %dma_wait3A_129 = tpu.memref_slice %arg5[%dma_wait3A_123, %dma_wait3A_124, %dma_wait3A_128] : memref<50x4x128xi32, #tpu.memory_space<vmem>> -> memref<1x1x128xi32, #tpu.memory_space<vmem>>
    %dma_wait3A_130 = tpu.memref_squeeze %dma_wait3A_129 : memref<1x1x128xi32, #tpu.memory_space<vmem>> -> memref<128xi32, #tpu.memory_space<vmem>>
    %dma_wait3A_131 = arith.constant 0 : i32
    %dma_wait3A_132 = arith.constant 0 : i32
    %dma_wait3A_133 = tpu.memref_slice %arg3[%dma_wait3A_131, %dma_wait3A_132] : memref<1000000x64xf32, #tpu.memory_space<hbm>> -> memref<1000000x64xf32, #tpu.memory_space<hbm>>
    tpu.wait_indirect_dma semaphore(%arg7 : memref<!tpu.dma_semaphore, #tpu.memory_space<semaphore_mem>>) src(%dma_wait3A_133 : memref<1000000x64xf32, #tpu.memory_space<hbm>>) dst(%dma_wait3A_127 : memref<128x64xf32, #tpu.memory_space<vmem>>)
    %dma_wait3A_134 = arith.constant 0 : i32
    %dma_wait3A_135 = arith.constant 0 : i32
    %dma_wait3A_136 = arith.constant 0 : i32
    %dma_wait3A_137 = arith.constant 0 : i32
    %dma_wait3A_138 = tpu.memref_slice %arg6[%dma_wait3A_136, %dma_wait3A_137] : memref<512x64xf32, #tpu.memory_space<vmem>> -> memref<128x64xf32, #tpu.memory_space<vmem>>
    %dma_wait3A_139 = arith.constant 0 : i32
    %dma_wait3A_140 = tpu.memref_slice %arg5[%dma_wait3A_134, %dma_wait3A_135, %dma_wait3A_139] : memref<50x4x128xi32, #tpu.memory_space<vmem>> -> memref<1x1x128xi32, #tpu.memory_space<vmem>>
    %dma_wait3A_141 = tpu.memref_squeeze %dma_wait3A_140 : memref<1x1x128xi32, #tpu.memory_space<vmem>> -> memref<128xi32, #tpu.memory_space<vmem>>
    %dma_wait3A_142 = arith.constant 0 : i32
    %dma_wait3A_143 = arith.constant 0 : i32
    %dma_wait3A_144 = tpu.memref_slice %arg3[%dma_wait3A_142, %dma_wait3A_143] : memref<1000000x64xf32, #tpu.memory_space<hbm>> -> memref<1000000x64xf32, #tpu.memory_space<hbm>>
    tpu.wait_indirect_dma semaphore(%arg7 : memref<!tpu.dma_semaphore, #tpu.memory_space<semaphore_mem>>) src(%dma_wait3A_144 : memref<1000000x64xf32, #tpu.memory_space<hbm>>) dst(%dma_wait3A_138 : memref<128x64xf32, #tpu.memory_space<vmem>>)
    %dma_wait3A_145 = arith.constant 0 : i32
    %dma_wait3A_146 = arith.constant 0 : i32
    %dma_wait3A_147 = arith.constant 0 : i32
    %dma_wait3A_148 = arith.constant 0 : i32
    %dma_wait3A_149 = tpu.memref_slice %arg6[%dma_wait3A_147, %dma_wait3A_148] : memref<512x64xf32, #tpu.memory_space<vmem>> -> memref<128x64xf32, #tpu.memory_space<vmem>>
    %dma_wait3A_150 = arith.constant 0 : i32
    %dma_wait3A_151 = tpu.memref_slice %arg5[%dma_wait3A_145, %dma_wait3A_146, %dma_wait3A_150] : memref<50x4x128xi32, #tpu.memory_space<vmem>> -> memref<1x1x128xi32, #tpu.memory_space<vmem>>
    %dma_wait3A_152 = tpu.memref_squeeze %dma_wait3A_151 : memref<1x1x128xi32, #tpu.memory_space<vmem>> -> memref<128xi32, #tpu.memory_space<vmem>>
    %dma_wait3A_153 = arith.constant 0 : i32
    %dma_wait3A_154 = arith.constant 0 : i32
    %dma_wait3A_155 = tpu.memref_slice %arg3[%dma_wait3A_153, %dma_wait3A_154] : memref<1000000x64xf32, #tpu.memory_space<hbm>> -> memref<1000000x64xf32, #tpu.memory_space<hbm>>
    tpu.wait_indirect_dma semaphore(%arg7 : memref<!tpu.dma_semaphore, #tpu.memory_space<semaphore_mem>>) src(%dma_wait3A_155 : memref<1000000x64xf32, #tpu.memory_space<hbm>>) dst(%dma_wait3A_149 : memref<128x64xf32, #tpu.memory_space<vmem>>)
    %dma_wait3A_156 = arith.constant 0 : i32
    %dma_wait3A_157 = arith.constant 0 : i32
    %dma_wait3A_158 = arith.constant 0 : i32
    %dma_wait3A_159 = arith.constant 0 : i32
    %dma_wait3A_160 = tpu.memref_slice %arg6[%dma_wait3A_158, %dma_wait3A_159] : memref<512x64xf32, #tpu.memory_space<vmem>> -> memref<128x64xf32, #tpu.memory_space<vmem>>
    %dma_wait3A_161 = arith.constant 0 : i32
    %dma_wait3A_162 = tpu.memref_slice %arg5[%dma_wait3A_156, %dma_wait3A_157, %dma_wait3A_161] : memref<50x4x128xi32, #tpu.memory_space<vmem>> -> memref<1x1x128xi32, #tpu.memory_space<vmem>>
    %dma_wait3A_163 = tpu.memref_squeeze %dma_wait3A_162 : memref<1x1x128xi32, #tpu.memory_space<vmem>> -> memref<128xi32, #tpu.memory_space<vmem>>
    %dma_wait3A_164 = arith.constant 0 : i32
    %dma_wait3A_165 = arith.constant 0 : i32
    %dma_wait3A_166 = tpu.memref_slice %arg3[%dma_wait3A_164, %dma_wait3A_165] : memref<1000000x64xf32, #tpu.memory_space<hbm>> -> memref<1000000x64xf32, #tpu.memory_space<hbm>>
    tpu.wait_indirect_dma semaphore(%arg7 : memref<!tpu.dma_semaphore, #tpu.memory_space<semaphore_mem>>) src(%dma_wait3A_166 : memref<1000000x64xf32, #tpu.memory_space<hbm>>) dst(%dma_wait3A_160 : memref<128x64xf32, #tpu.memory_space<vmem>>)
    %dma_wait3A_167 = arith.constant 0 : i32
    %dma_wait3A_168 = arith.constant 0 : i32
    %dma_wait3A_169 = arith.constant 0 : i32
    %dma_wait3A_170 = arith.constant 0 : i32
    %dma_wait3A_171 = tpu.memref_slice %arg6[%dma_wait3A_169, %dma_wait3A_170] : memref<512x64xf32, #tpu.memory_space<vmem>> -> memref<128x64xf32, #tpu.memory_space<vmem>>
    %dma_wait3A_172 = arith.constant 0 : i32
    %dma_wait3A_173 = tpu.memref_slice %arg5[%dma_wait3A_167, %dma_wait3A_168, %dma_wait3A_172] : memref<50x4x128xi32, #tpu.memory_space<vmem>> -> memref<1x1x128xi32, #tpu.memory_space<vmem>>
    %dma_wait3A_174 = tpu.memref_squeeze %dma_wait3A_173 : memref<1x1x128xi32, #tpu.memory_space<vmem>> -> memref<128xi32, #tpu.memory_space<vmem>>
    %dma_wait3A_175 = arith.constant 0 : i32
    %dma_wait3A_176 = arith.constant 0 : i32
    %dma_wait3A_177 = tpu.memref_slice %arg3[%dma_wait3A_175, %dma_wait3A_176] : memref<1000000x64xf32, #tpu.memory_space<hbm>> -> memref<1000000x64xf32, #tpu.memory_space<hbm>>
    tpu.wait_indirect_dma semaphore(%arg7 : memref<!tpu.dma_semaphore, #tpu.memory_space<semaphore_mem>>) src(%dma_wait3A_177 : memref<1000000x64xf32, #tpu.memory_space<hbm>>) dst(%dma_wait3A_171 : memref<128x64xf32, #tpu.memory_space<vmem>>)
    %dma_wait3A_178 = arith.constant 0 : i32
    %dma_wait3A_179 = arith.constant 0 : i32
    %dma_wait3A_180 = arith.constant 0 : i32
    %dma_wait3A_181 = arith.constant 0 : i32
    %dma_wait3A_182 = tpu.memref_slice %arg6[%dma_wait3A_180, %dma_wait3A_181] : memref<512x64xf32, #tpu.memory_space<vmem>> -> memref<128x64xf32, #tpu.memory_space<vmem>>
    %dma_wait3A_183 = arith.constant 0 : i32
    %dma_wait3A_184 = tpu.memref_slice %arg5[%dma_wait3A_178, %dma_wait3A_179, %dma_wait3A_183] : memref<50x4x128xi32, #tpu.memory_space<vmem>> -> memref<1x1x128xi32, #tpu.memory_space<vmem>>
    %dma_wait3A_185 = tpu.memref_squeeze %dma_wait3A_184 : memref<1x1x128xi32, #tpu.memory_space<vmem>> -> memref<128xi32, #tpu.memory_space<vmem>>
    %dma_wait3A_186 = arith.constant 0 : i32
    %dma_wait3A_187 = arith.constant 0 : i32
    %dma_wait3A_188 = tpu.memref_slice %arg3[%dma_wait3A_186, %dma_wait3A_187] : memref<1000000x64xf32, #tpu.memory_space<hbm>> -> memref<1000000x64xf32, #tpu.memory_space<hbm>>
    tpu.wait_indirect_dma semaphore(%arg7 : memref<!tpu.dma_semaphore, #tpu.memory_space<semaphore_mem>>) src(%dma_wait3A_188 : memref<1000000x64xf32, #tpu.memory_space<hbm>>) dst(%dma_wait3A_182 : memref<128x64xf32, #tpu.memory_space<vmem>>)
    %scan3A_189 = arith.constant 2.000000e-02 : f32
    %scan3A_190 = arith.constant 0 : i32
    %scan3A_191 = arith.constant 0 : i32
    %scan3A_192 = arith.constant 512 : i32
    %scan3A_193 = arith.addi %scan3A_191, %scan3A_192 : i32
    %scan3A_194 = arith.constant 1 : i32
    %scan3A_195 = scf.for %scan3A_199 = %scan3A_191 to %scan3A_193 step %scan3A_194 iter_args(%scan3A_200 = %scan3A_190) -> (i32)  : i32 {
      %get3A = arith.index_cast %scan3A_199 : i32 to index
      %get3A_201 = arith.constant 0 : index
      %get3A_202 = tpu.vector_load %arg6[%get3A, %get3A_201] {strides = array<i32>} : memref<512x64xf32, #tpu.memory_space<vmem>>, vector<1x16xf32>,
      %get3A_203 = vector.shape_cast %get3A_202 : vector<1x16xf32> to vector<16xf32>
      %mul3A_204 = vector.broadcast %scan3A_189 : f32 to vector<16xf32>
      %mul3A_205 = arith.mulf %get3A_203, %mul3A_204 : vector<16xf32>
      %swap3A = arith.index_cast %scan3A_199 : i32 to index
      %swap3A_206 = arith.constant 0 : index
      %swap3A_207 = tpu.vector_load %arg6[%swap3A, %swap3A_206] {strides = array<i32>} : memref<512x64xf32, #tpu.memory_space<vmem>>, vector<1x16xf32>,
      %swap3A_208 = vector.shape_cast %swap3A_207 : vector<1x16xf32> to vector<16xf32>
      %swap3A_209 = vector.shape_cast %mul3A_205 : vector<16xf32> to vector<1x16xf32>
      tpu.vector_store %arg6[%swap3A, %swap3A_206], %swap3A_209 {strides = array<i32>} : memref<512x64xf32, #tpu.memory_space<vmem>>, vector<1x16xf32>,
      %get3A_210 = arith.index_cast %scan3A_199 : i32 to index
      %get3A_211 = arith.constant 16 : index
      %get3A_212 = tpu.vector_load %arg6[%get3A_210, %get3A_211] {strides = array<i32>} : memref<512x64xf32, #tpu.memory_space<vmem>>, vector<1x16xf32>,
      %get3A_213 = vector.shape_cast %get3A_212 : vector<1x16xf32> to vector<16xf32>
      %mul3A_214 = vector.broadcast %scan3A_189 : f32 to vector<16xf32>
      %mul3A_215 = arith.mulf %get3A_213, %mul3A_214 : vector<16xf32>
      %swap3A_216 = arith.index_cast %scan3A_199 : i32 to index
      %swap3A_217 = arith.constant 16 : index
      %swap3A_218 = tpu.vector_load %arg6[%swap3A_216, %swap3A_217] {strides = array<i32>} : memref<512x64xf32, #tpu.memory_space<vmem>>, vector<1x16xf32>,
      %swap3A_219 = vector.shape_cast %swap3A_218 : vector<1x16xf32> to vector<16xf32>
      %swap3A_220 = vector.shape_cast %mul3A_215 : vector<16xf32> to vector<1x16xf32>
      tpu.vector_store %arg6[%swap3A_216, %swap3A_217], %swap3A_220 {strides = array<i32>} : memref<512x64xf32, #tpu.memory_space<vmem>>, vector<1x16xf32>,
      %get3A_221 = arith.index_cast %scan3A_199 : i32 to index
      %get3A_222 = arith.constant 32 : index
      %get3A_223 = tpu.vector_load %arg6[%get3A_221, %get3A_222] {strides = array<i32>} : memref<512x64xf32, #tpu.memory_space<vmem>>, vector<1x16xf32>,
      %get3A_224 = vector.shape_cast %get3A_223 : vector<1x16xf32> to vector<16xf32>
      %mul3A_225 = vector.broadcast %scan3A_189 : f32 to vector<16xf32>
      %mul3A_226 = arith.mulf %get3A_224, %mul3A_225 : vector<16xf32>
      %swap3A_227 = arith.index_cast %scan3A_199 : i32 to index
      %swap3A_228 = arith.constant 32 : index
      %swap3A_229 = tpu.vector_load %arg6[%swap3A_227, %swap3A_228] {strides = array<i32>} : memref<512x64xf32, #tpu.memory_space<vmem>>, vector<1x16xf32>,
      %swap3A_230 = vector.shape_cast %swap3A_229 : vector<1x16xf32> to vector<16xf32>
      %swap3A_231 = vector.shape_cast %mul3A_226 : vector<16xf32> to vector<1x16xf32>
      tpu.vector_store %arg6[%swap3A_227, %swap3A_228], %swap3A_231 {strides = array<i32>} : memref<512x64xf32, #tpu.memory_space<vmem>>, vector<1x16xf32>,
      %get3A_232 = arith.index_cast %scan3A_199 : i32 to index
      %get3A_233 = arith.constant 48 : index
      %get3A_234 = tpu.vector_load %arg6[%get3A_232, %get3A_233] {strides = array<i32>} : memref<512x64xf32, #tpu.memory_space<vmem>>, vector<1x16xf32>,
      %get3A_235 = vector.shape_cast %get3A_234 : vector<1x16xf32> to vector<16xf32>
      %mul3A_236 = vector.broadcast %scan3A_189 : f32 to vector<16xf32>
      %mul3A_237 = arith.mulf %get3A_235, %mul3A_236 : vector<16xf32>
      %swap3A_238 = arith.index_cast %scan3A_199 : i32 to index
      %swap3A_239 = arith.constant 48 : index
      %swap3A_240 = tpu.vector_load %arg6[%swap3A_238, %swap3A_239] {strides = array<i32>} : memref<512x64xf32, #tpu.memory_space<vmem>>, vector<1x16xf32>,
      %swap3A_241 = vector.shape_cast %swap3A_240 : vector<1x16xf32> to vector<16xf32>
      %swap3A_242 = vector.shape_cast %mul3A_237 : vector<16xf32> to vector<1x16xf32>
      tpu.vector_store %arg6[%swap3A_238, %swap3A_239], %swap3A_242 {strides = array<i32>} : memref<512x64xf32, #tpu.memory_space<vmem>>, vector<1x16xf32>,
      %scan3A_243 = arith.constant 0 : i32
      scf.yield %scan3A_243 : i32
    }
    %scan3A_196 = arith.constant 512 : i32
    %mul3A_197 = arith.constant 512 : i32
    %mul3A_198 = arith.muli %add3A, %mul3A_197 : i32
    "tpu.region"() ({
      %run_scoped3A = tpu.sem_alloc : memref<!tpu.dma_semaphore, #tpu.memory_space<semaphore_mem>>
      %dma_start3A_199 = arith.constant 0 : i32
      %dma_start3A_200 = tpu.memref_slice %arg4[%mul3A_198, %dma_start3A_199] : memref<16384x64xf32, #tpu.memory_space<hbm>> -> memref<512x64xf32, #tpu.memory_space<hbm>>
      %dma_start3A_201 = arith.constant 0 : i32
      %dma_start3A_202 = tpu.memref_slice %arg4[%mul3A_198, %dma_start3A_201] : memref<16384x64xf32, #tpu.memory_space<hbm>> -> memref<512x64xf32, #tpu.memory_space<hbm>>
      tpu.enqueue_dma source(%arg6 : memref<512x64xf32, #tpu.memory_space<vmem>>) target(%dma_start3A_202 : memref<512x64xf32, #tpu.memory_space<hbm>>) target_semaphore(%run_scoped3A : memref<!tpu.dma_semaphore, #tpu.memory_space<semaphore_mem>>)
      %dma_wait3A_203 = arith.constant 0 : i32
      %dma_wait3A_204 = tpu.memref_slice %arg4[%mul3A_198, %dma_wait3A_203] : memref<16384x64xf32, #tpu.memory_space<hbm>> -> memref<512x64xf32, #tpu.memory_space<hbm>>
      %dma_wait3A_205 = arith.constant 0 : i32
      %dma_wait3A_206 = tpu.memref_slice %arg4[%mul3A_198, %dma_wait3A_205] : memref<16384x64xf32, #tpu.memory_space<hbm>> -> memref<512x64xf32, #tpu.memory_space<hbm>>
      tpu.wait_dma2 semaphore(%run_scoped3A : memref<!tpu.dma_semaphore, #tpu.memory_space<semaphore_mem>>) src(%arg6 : memref<512x64xf32, #tpu.memory_space<vmem>>) dst(%dma_wait3A_206 : memref<512x64xf32, #tpu.memory_space<hbm>>)
      tpu.yield
    }) : () -> ()
    return
  }
}

</mosaic_0001>

<sc_bundles>
// kernel: kernel.3.cloned.1.call-start
scs
__scs_entry_jumppad:
0x0: {  	(pc) =	sbr.rel $0x88, $3  }
0x1: {  	(tag) =	ssettag $0x0;
	lr =	simm.s32 $0x1  }
0x2: {  	[smem:$0x3F9F] =	sst lr;
	_ =	strace $0xD0000000  }
0x3: {  	_ = 	snop  }
0x4: {  	_ = 	snop  }
0x5: {  	_ = 	snop  }
0x6: {  	_ = 	snop  }
0x7: {  	_ = 	snop  }
__scs_overlays_trampoline_lowered:
0x8: {  	[smem:$0x3FAE] =	sst s0  }
0x9: {  	[smem:$0x3FAF] =	sst s1  }
0xa: {  	[smem:$0x3FB0] =	sst s2  }
0xb: {  	[smem:$0x3FB1] =	sst s3  }
0xc: {  	[smem:$0x3FB2] =	sst s4  }
0xd: {  	[smem:$0x3FB3] =	sst s5  }
0xe: {  	[smem:$0x3FB4] =	sst s6  }
0xf: {  	[smem:$0x3FB5] =	sst s7  }
0x10: {  	[smem:$0x3FB6] =	sst s8  }
0x11: {  	[smem:$0x3FB7] =	sst s9;
	s0 =	simm.s32 @!p0 $0x0  }
0x12: {  	s1 =	sld [smem:$0x3F9D];
	s0 =	simm.s32 @p0 $0x1  }
0x13: {  	[smem:$0x3FB8] =	sst s0;
	s0 =	simm.s32 @!p1 $0x0  }
0x14: {  	s2 =	sld [smem:$0x3F9C];
	s0 =	simm.s32 @p1 $0x1  }
0x15: {  	[smem:$0x3FB9] =	sst s0;
	s0 =	simm.s32 @!p2 $0x0  }
0x16: {  	s3 =	sld [smem:$0x3FDB];
	s0 =	simm.s32 @p2 $0x1  }
0x17: {  	s4 =	simm.s32 $0x1BF5;
	[smem:$0x3FBB] =	sst s0  }
0x18: {  	s0 =	sld [smem:$0x3F9E];
	_ =	swait.ge [sflag:s4], $0x0  }
0x19: {  	s7 =	sld [smem:$0x3F9F]  }
0x1a: {  	s8 =	sadd.s32 $0xFFFFE003, lr  }
0x1b: {  	s9 =	sadd.s32 $0xFFFFFEF7, lr;
	s5 =	simm.s32 $0xFFFFFFFF;
	p2 =	slt.u32 s8, $0xFFFFF086  }
0x1c: {  	p1 =	slt.u32 s9, $0xF7A;
	s5 =	simm.s32 @!p2 $0x0  }
0x1d: {  	s5 =	simm.s32 @p1 $0x1;
	p0 =	seq.s32 s7, s2  }
0x1e: {  	s7 =	smul.u32 @!p0 $0xF7A, s2;
	p2 =	seq.s32 @!p0 s5, $0x0  }
0x1f: {  	s9 =	smul.u32 $0xF7A, s1;
	s8 =	simm.s32 @!p0 $0x1BF5;
	p2 =	por !p2, p0  }
0x20: {  	[sflag:s8] =	ssyncset.s32 @!p0 $0xFFFFF086;
	s6 =	sadd.s32 @!p0 s3, s7;
	s7 =	simm.s32 @!p0 $0x108  }
0x21: {  	s3 =	sadd.s32 s3, s9;
	s6 =	sadd.s32 @!p0 $0x88, s6;
	s7 =	simm.s32 @p2 $0x1082  }
0x22: {  	[simem:s7], [sflag:s8] =	dma.local @!p0 [hbm:s6], $0xF7A  }
0x23: {  	s9 =	sor.u32 $0xD0000000, s2;
	s6 =	simm.s32 $0x108;
	_ =	swait.ge @!p0 [sflag:s8], $0x0  }
0x24: {  	s3 =	sadd.s32 $0x88, s3;
	s6 =	simm.s32 @!p1 $0x1082;
	[sflag:s4] =	ssyncset.s32 $0xFFFFF086  }
0x25: {  	[simem:s6], [sflag:s4] =	dma.local [hbm:s3], $0xF7A  }
0x26: {  	[smem:$0x3F9F] =	sst s1;
	(tag) =	ssettag s2;
	_ =	strace s9  }
0x27: {  	s1 =	sld [smem:$0x3FAF]  }
0x28: {  	s2 =	sld [smem:$0x3FB0]  }
0x29: {  	s4 =	sld [smem:$0x3FB2]  }
0x2a: {  	p0 =	seq.s32 s5, $0x0;
	s5 =	sld [smem:$0x3FB3]  }
0x2b: {  	s6 =	sld [smem:$0x3FB4]  }
0x2c: {  	s7 =	sld [smem:$0x3FB5]  }
0x2d: {  	s3 =	simm.s32 $0x108;
	s8 =	sld [smem:$0x3FB6]  }
0x2e: {  	s3 =	simm.s32 @!p0 $0x1082;
	s9 =	sld [smem:$0x3FB7]  }
0x2f: {  	lr =	sadd.s32 s0, s3;
	s0 =	sld [smem:$0x3FAE]  }
0x30: {  	s3 =	sld [smem:$0x3FB1]  }
0x31: {  	[smem:$0x3FBA] =	sst s10  }
0x32: {  	s10 =	sld [smem:$0x3FB8];
	_ =	sdelay $0x3  }
0x33: {  	p0 =	seq.s32 s10, $0x1;
	s10 =	sld [smem:$0x3FBA];
	_ =	sdelay $0x3  }
0x34: {  	[smem:$0x3FBA] =	sst s10  }
0x35: {  	s10 =	sld [smem:$0x3FB9];
	_ =	sdelay $0x3  }
0x36: {  	p1 =	seq.s32 s10, $0x1;
	s10 =	sld [smem:$0x3FBA];
	_ =	sdelay $0x3  }
0x37: {  	[smem:$0x3FBA] =	sst s10  }
0x38: {  	s10 =	sld [smem:$0x3FBB]  }
0x39: {  	_ = 	snop;
	(pc) =	sbr.ind lr, $3  }
0x3a: {  	_ = 	snop  }
0x3b: {  	_ = 	snop  }
0x3c: {  	p2 =	seq.s32 s10, $0x1;
	s10 =	sld [smem:$0x3FBA]  }
0x3d: {  	_ =	shalt  }
0x3e: {  	_ =	shalt  }
0x3f: {  	_ =	shalt  }
0x40: {  	_ =	shalt  }
0x41: {  	_ =	shalt  }
0x42: {  	_ =	shalt  }
0x43: {  	_ =	shalt  }
0x44: {  	_ =	shalt  }
0x45: {  	_ =	shalt  }
0x46: {  	_ =	shalt  }
0x47: {  	_ =	shalt  }
0x48: {  	_ =	shalt  }
0x49: {  	_ =	shalt  }
0x4a: {  	_ =	shalt  }
0x4b: {  	_ =	shalt  }
0x4c: {  	_ =	shalt  }
0x4d: {  	_ =	shalt  }
0x4e: {  	_ =	shalt  }
0x4f: {  	_ =	shalt  }
0x50: {  	_ =	shalt  }
0x51: {  	_ =	shalt  }
0x52: {  	_ =	shalt  }
0x53: {  	_ =	shalt  }
0x54: {  	_ =	shalt  }
0x55: {  	_ =	shalt  }
0x56: {  	_ =	shalt  }
0x57: {  	_ =	shalt  }
0x58: {  	_ =	shalt  }
0x59: {  	_ =	shalt  }
0x5a: {  	_ =	shalt  }
0x5b: {  	_ =	shalt  }
0x5c: {  	_ =	shalt  }
0x5d: {  	_ =	shalt  }
0x5e: {  	_ =	shalt  }
0x5f: {  	_ =	shalt  }
0x60: {  	_ =	shalt  }
0x61: {  	_ =	shalt  }
0x62: {  	_ =	shalt  }
0x63: {  	_ =	shalt  }
0x64: {  	_ =	shalt  }
0x65: {  	_ =	shalt  }
0x66: {  	_ =	shalt  }
0x67: {  	_ =	shalt  }
0x68: {  	_ =	shalt  }
0x69: {  	_ =	shalt  }
0x6a: {  	_ =	shalt  }
0x6b: {  	_ =	shalt  }
0x6c: {  	_ =	shalt  }
0x6d: {  	_ =	shalt  }
0x6e: {  	_ =	shalt  }
0x6f: {  	_ =	shalt  }
0x70: {  	_ =	shalt  }
0x71: {  	_ =	shalt  }
0x72: {  	_ =	shalt  }
0x73: {  	_ =	shalt  }
0x74: {  	_ =	shalt  }
0x75: {  	_ =	shalt  }
0x76: {  	_ =	shalt  }
0x77: {  	_ =	shalt  }
0x78: {  	_ =	shalt  }
0x79: {  	_ =	shalt  }
0x7a: {  	_ =	shalt  }
0x7b: {  	_ =	shalt  }
0x7c: {  	_ =	shalt  }
0x7d: {  	_ =	shalt  }
0x7e: {  	_ =	shalt  }
0x7f: {  	_ =	shalt  }
0x80: {  	_ =	shalt  }
0x81: {  	_ =	shalt  }
0x82: {  	_ =	shalt  }
0x83: {  	_ =	shalt  }
0x84: {  	_ =	shalt  }
0x85: {  	_ =	shalt  }
0x86: {  	_ =	shalt  }
0x87: {  	_ =	shalt  }
.Lfunc_end0:
.L_simem_size_0:
called_computation_lowered:
.L_overlay_start_0:
0x88: {  	s2 =	sld [smem:$0x3FD9]  }
0x89: {  	s3 =	sld [smem:$0x3FFE];
	_ =	sdelay $0x1  }
0x8a: {  	s1 =	srdreg.scid  }
0x8b: {  	s0 =	sand.u32 $0x1, s1  }
0x8c: {  	s17 =	sshll.u32 s0, $0xA;
	s2 =	sadd.s32 s3, s2  }
0x8d: {  	s2 =	sadd.s32 s2, s17  }
0x8e: {  	[smem:$0x3FC6] =	sst s2  }
0x8f: {  	_ = 	snop  }
0x90: {  	s2 =	sld [smem:$0x3FD0];
	(tm) =	ssettm $0x1  }
0x91: {  	s18 =	sld [smem:$0x3FFB];
	_ =	sdelay $0x3  }
0x92: {  	_ =	strace s18  }
0x93: {  	s3 =	sld [smem:$0x3FFC];
	_ =	sdelay $0x3  }
0x94: {  	_ =	strace s3  }
0x95: {  	s3 =	sld [smem:$0x3FFD];
	_ =	sdelay $0x3  }
0x96: {  	_ =	strace s3  }
0x97: {  	_ =	strace $0x8FFFFFFF  }
0x98: {  	s19 =	sld [smem:$0x3FDB];
	_ =	sdelay $0x1  }
0x99: {  	s4 =	simm.s32 $_scs_section_size  }
0x9a: {  	s5 =	simm.s32 $_size__tile_overlayer_lowered;
	s6 =	simm.s32 $_tile_overlayer_lowered  }
0x9b: {  	s22 =	simm.s32 $0x1BFF;
	s21 =	sshll.u32 s6, $0x1;
	s3 =	sadd.s32 s4, s19  }
0x9c: {  	s7 =	simm.s32 $0x0;
	s20 =	sshll.u32 s5, $0x1;
	s5 =	sadd.s32 s21, s3  }
0x9d: {  	[timem:s7], [sflag:s22] =	dma.local [hbm:s5], s20  }
0x9e: {  	_ =	swait.ge [sflag:s22], s20  }
0x9f: {  	s4 =	ssub.s32 $0x0, s20;
	[sflag:s22] =	ssyncset.done $0x0  }
0xa0: {  	[sflag:s22] =	ssyncadd.s32 s4;
	_ =	sdelay $0x1  }
0xa1: {  	s23 =	simm.s32 $0x1B8B  }
0xa2: {  	_ =	swait.ge [sflag:s23], $0x1  }
0xa3: {  	[sflag:s23] =	ssyncset.done $0x0  }
0xa4: {  	s25 =	simm.s32 $0x1B8E;
	s24 =	sld [smem:$0x3FFE];
	[sflag:s23] =	ssyncadd.s32 $0xFFFFFFFF  }
0xa5: {  	s26 =	simm.s32 $execute0_lowered;
	[smem:$0x3FD2] =	sst s25  }
0xa6: {  	s5 =	sshll.u32 s26, $0x1;
	_ =	strace $0x80000046;
	[dreg:$0x1] =	wrdreg $0xFFFFFFFF  }
0xa7: {  	s28 =	simm.s32 $_size_execute0_lowered;
	s3 =	sadd.s32 s3, s5;
	[dreg:$0x0] =	wrdreg $0x0  }
0xa8: {  	s5 =	sshll.u32 s28, $0x1;
	[dreg:$0x2] =	wrdreg s3  }
0xa9: {  	[dreg:$0x3] =	wrdreg s5  }
0xaa: {  	[dreg:$0x4] =	wrdreg $0xC0  }
0xab: {  	_ =	task [dreg:s7], $0x5FFFF  }
0xac: {  	[dreg:$0x1] =	wrdreg $0xFFFFFFFF  }
0xad: {  	[dreg:$0x0] =	wrdreg $0x60  }
0xae: {  	[dreg:$0x2] =	wrdreg s24  }
0xaf: {  	[dreg:$0x3] =	wrdreg s2  }
0xb0: {  	[dreg:$0x4] =	wrdreg $0x9  }
0xb1: {  	_ =	task.clear_ibuf [dreg:s7], $0x5FFFF;
	_ =	strace $0x90000046  }
0xb2: {  	s29 =	simm.s32 $0x9;
	_ =	strace $0x80000048  }
0xb3: {  	_ =	swait.ge [sflag:s29], $0x1  }
0xb4: {  	[sflag:s29] =	ssyncadd.s32 $0xFFFFFFFF  }
0xb5: {  	_ =	strace $0x90000048  }
0xb6: {  	_ =	sfence  }
0xb7: {  	s30 =	sld [smem:$0x0];
	_ =	sdelay $0x2  }
0xb8: {  	s31 =	sshll.u32 s1, $0xD;
	s1 =	sshrl.u32 s1, $0x2  }
0xb9: {  	s3 =	sand.u32 $0x4000, s31;
	s1 =	sadd.s32 s1, s30  }
0xba: {  	s0 =	sor.u32 s3, s0;
	s1 =	sshll.u32 s1, $0x11  }
0xbb: {  	s0 =	sor.u32 s1, s0  }
0xbc: {  	s0 =	sadd.s32 $0x8F2B, s0  }
0xbd: {  	[sflag:s0] =	ssyncadd.remote.s32 $0x1  }
0xbe: {  	_ =	sfence.sel $0xFFFF  }
0xbf: {  	[dreg:$0x0] =	wrdreg $0xFFFFFFFF;
	(pc) =	sbr.abs _section_cstart, $3  }
0xc0: {  	[dreg:$0x1] =	wrdreg $0xFFFFFFFF  }
0xc1: {  	_ =	task.clear_ibuf [dreg:s7], $0x2FFFF;
	_ =	strace $0x9FFFFFFF  }
0xc2: {  	(tm) =	ssettm $0x7FFFFFFF  }
0xc3: {  	_ =	shalt  }
tec
execute0_lowered:
.L_overlay_start_1:
0x0: {  	(tag) =	ssettag $0x1  }
0x1: {  	s1 =	srdreg.scid  }
0x2: {  	s0 =	stileid.u32;
	s3 =	rddreg [dreg:$0x0]  }
0x3: {  	s5 =	rddreg [dreg:$0x1];
	s2 =	simm.s32 $0x0;
	s9 =	simm.s32 $0x6400  }
0x4: {  	s10 =	simm.s32 $0x200;
	s11 =	simm.s32 $0x400;
	s12 =	simm.s32 $0x600  }
0x5: {  	s13 =	simm.s32 $0x800;
	s14 =	simm.s32 $0xA00;
	s15 =	simm.s32 $0xC00  }
0x6: {  	s16 =	simm.s32 $0xE00;
	s17 =	simm.s32 $0x1;
	s18 =	simm.s32 $0x0  }
0x7: {  	s4 =	sand.u32 $0x1, s1;
	s31 =	sshll.u32 s0, $0x1;
	s1 =	rddreg [dreg:$0x2]  }
0x8: {  	[smem:$0x7FF] =	sst s2;
	s6 =	sor.u32 s4, s31;
	s4 =	ssub.s32 $0x2, s4  }
0x9: {  	s7 =	smul.u32 $0xC80, s6;
	s8 =	sshrl.u32 s4, $0x1;
	s6 =	sshll.u32 s6, $0xC  }
0xa: {  	_ =	strace $0x80000047;
	s8 =	ssub.s32 s4, s8;
	s5 =	sadd.s32 s5, s6  }
0xb: {  	s7 =	sadd.s32 s7, s3;
	s3 =	sadd.s32 $0xF42A00, s3;
	s6 =	smax.u32 s8, $0x1  }
0xc: {  	v0 =	vimm.f32 $0.0e+00;
	s8 =	simm.s32 $0x80;
	s4 =	sadd.s32 $0x600, s7;
	s7 =	simm.s32 $0x2  }
.LBB2_1:
0xd: {  	[tilespmem:s2], [sflag:$0x2] =	stream.linear.gather [hbm4b:s4+s2], $0x6400, $0x38;
	[tilespmem:$0xE400] =	vst v63  }
0xe: {  	_ =	swait.ge [sflag:s7], $0x6400  }
0xf: {  	[sflag:s7] =	ssyncset.done $0x0  }
0x10: {  	s20 =	simm.s32 $0x100;
	s19 =	simm.s32 $0x0;
	[sflag:s7] =	ssyncadd.s32 $0xFFFF9C00  }
.LBB2_2:
0x11: {  	p0 =	sne.s32 s20, $0x1FF00;
	[tilespmem:s19+$0x6430] =	vst v0;
	s21 =	smov.u32 s20;
	s20 =	sadd.s32 $0x100, s20  }
.Ltmp0:
0x12: {  	[tilespmem:s19+$0x6420] =	vst v0;
	(pc) =	sbr.rel @p0 .LBB2_2-.Ltmp0, $3  }
0x13: {  	[tilespmem:s19+$0x6400] =	vst v0  }
0x14: {  	[tilespmem:s19+$0x6410] =	vst v0;
	_ =	sdelay $0x1  }
0x15: {  	s19 =	sshra.s32 s21, $0x2  }
0x16: {  	[tilespmem:s19+$0x6430] =	vst v0  }
0x17: {  	[tilespmem:s19+$0x6420] =	vst v0  }
0x18: {  	[tilespmem:s19+$0x6400] =	vst v0  }
0x19: {  	[tilespmem:s19+$0x6410] =	vst v0;
	s30 =	simm.s32 $0x0  }
0x1a: {  	[tilespmem:s9], [sflag:$0x1] =	stream.indirect.gather.add.f32 [hbm:s3], $0x40, s30, s8, $0xb8;
	[tilespmem:$0xE400] =	vst v63  }
0x1b: {  	_ = 	snop  }
0x1c: {  	[tilespmem:s9], [sflag:$0x1] =	stream.indirect.gather.add.f32 [hbm:s3], $0x40, s10, s8, $0xb8;
	[tilespmem:$0xE400] =	vst v63  }
0x1d: {  	s31 =	simm.s32 $0x8  }
0x1e: {  	[tilespmem:s9], [sflag:$0x1] =	stream.indirect.gather.add.f32 [hbm:s3], $0x40, s11, s8, $0xb8;
	[tilespmem:$0xE400] =	vst v63  }
0x1f: {  	s19 =	sand.u32 $0xFF, s31  }
0x20: {  	[tilespmem:s9], [sflag:$0x1] =	stream.indirect.gather.add.f32 [hbm:s3], $0x40, s12, s8, $0xb8;
	[tilespmem:$0xE400] =	vst v63  }
0x21: {  	s19 =	smul.u32 $0x29, s19  }
0x22: {  	[tilespmem:s9], [sflag:$0x1] =	stream.indirect.gather.add.f32 [hbm:s3], $0x40, s13, s8, $0xb8;
	[tilespmem:$0xE400] =	vst v63  }
0x23: {  	s23 =	sshrl.u32 s19, $0xB;
	s19 =	simm.s32 $0x9  }
0x24: {  	[tilespmem:s9], [sflag:$0x1] =	stream.indirect.gather.add.f32 [hbm:s3], $0x40, s14, s8, $0xb8;
	[tilespmem:$0xE400] =	vst v63  }
0x25: {  	s20 =	smul.u32 $0x32, s23;
	s21 =	sand.u32 $0xFF, s19;
	s22 =	sshll.u32 s23, $0xD  }
0x26: {  	[tilespmem:s9], [sflag:$0x1] =	stream.indirect.gather.add.f32 [hbm:s3], $0x40, s15, s8, $0xb8;
	[tilespmem:$0xE400] =	vst v63  }
0x27: {  	s23 =	sshll.u32 s23, $0x7;
	s21 =	smul.u32 $0x29, s21;
	s24 =	ssub.s32 $0x8, s20  }
0x28: {  	[tilespmem:s9], [sflag:$0x1] =	stream.indirect.gather.add.f32 [hbm:s3], $0x40, s16, s8, $0xb8;
	[tilespmem:$0xE400] =	vst v63  }
0x29: {  	s20 =	simm.s32 $0x2;
	s24 =	sand.u32 $0xFF, s24;
	_ =	swait.ge [sflag:s17], $0x2000  }
.LBB2_4:
0x2a: {  	p0 =	sne.s32 s20, $0xBF;
	[sflag:s17] =	ssyncset.done $0x0;
	s24 =	sshll.u32 s24, $0x9  }
0x2b: {  	s22 =	sadd.s32 $0x6400, s22;
	[sflag:s17] =	ssyncadd.s32 $0xFFFFE000;
	s23 =	sadd.s32 s23, s24  }
0x2c: {  	[tilespmem:s22], [sflag:$0x1] =	stream.indirect.gather.add.f32 [hbm:s3], $0x40, s23, s8, $0xb8;
	[tilespmem:$0xE400] =	vst v63  }
.Ltmp1:
0x2d: {  	s23 =	sshrl.u32 s21, $0xB;
	_ =	swait.ge [sflag:s17], $0x2000;
	(pc) =	sbr.rel @p0 .LBB2_4-.Ltmp1, $4  }
0x2e: {  	s24 =	smov.u32 s19;
	s19 =	sadd.s32 $0x8, s20;
	s22 =	smul.u32 $0x32, s23  }
0x2f: {  	s21 =	sand.u32 $0xFF, s19  }
0x30: {  	s21 =	smul.u32 $0x29, s21;
	s24 =	ssub.s32 s24, s22;
	s22 =	sshll.u32 s23, $0xD  }
0x31: {  	s20 =	sadd.s32 $0x1, s20;
	s23 =	sshll.u32 s23, $0x7;
	s24 =	sand.u32 $0xFF, s24  }
0x32: {  	[sflag:s17] =	ssyncset.done $0x0  }
0x33: {  	s20 =	sshll.u32 s24, $0x9;
	s21 =	sshrl.u32 s21, $0xB;
	s22 =	sadd.s32 $0x6400, s22  }
0x34: {  	[sflag:s17] =	ssyncadd.s32 $0xFFFFE000;
	s20 =	sadd.s32 s23, s20;
	s30 =	smul.u32 $0x32, s21  }
0x35: {  	[tilespmem:s22], [sflag:$0x1] =	stream.indirect.gather.add.f32 [hbm:s3], $0x40, s20, s8, $0xb8;
	[tilespmem:$0xE400] =	vst v63  }
0x36: {  	s19 =	ssub.s32 s19, s30  }
0x37: {  	s31 =	sshll.u32 s21, $0xD;
	_ =	swait.ge [sflag:s17], $0x2000;
	s19 =	sand.u32 $0xFF, s19  }
0x38: {  	s21 =	sshll.u32 s21, $0x7;
	[sflag:s17] =	ssyncset.done $0x0;
	s19 =	sshll.u32 s19, $0x9  }
0x39: {  	s20 =	sadd.s32 $0x6400, s31;
	[sflag:s17] =	ssyncadd.s32 $0xFFFFE000;
	s19 =	sadd.s32 s21, s19  }
0x3a: {  	[tilespmem:s20], [sflag:$0x1] =	stream.indirect.gather.add.f32 [hbm:s3], $0x40, s19, s8, $0xb8;
	[tilespmem:$0xE400] =	vst v63  }
0x3b: {  	_ =	swait.ge [sflag:s17], $0x2000  }
0x3c: {  	[sflag:s17] =	ssyncset.done $0x0  }
0x3d: {  	[sflag:s17] =	ssyncadd.s32 $0xFFFFE000  }
0x3e: {  	_ =	swait.ge [sflag:s17], $0x2000  }
0x3f: {  	[sflag:s17] =	ssyncset.done $0x0  }
0x40: {  	[sflag:s17] =	ssyncadd.s32 $0xFFFFE000  }
0x41: {  	_ =	swait.ge [sflag:s17], $0x2000  }
0x42: {  	[sflag:s17] =	ssyncset.done $0x0  }
0x43: {  	[sflag:s17] =	ssyncadd.s32 $0xFFFFE000  }
0x44: {  	_ =	swait.ge [sflag:s17], $0x2000  }
0x45: {  	[sflag:s17] =	ssyncset.done $0x0  }
0x46: {  	[sflag:s17] =	ssyncadd.s32 $0xFFFFE000  }
0x47: {  	_ =	swait.ge [sflag:s17], $0x2000  }
0x48: {  	[sflag:s17] =	ssyncset.done $0x0  }
0x49: {  	[sflag:s17] =	ssyncadd.s32 $0xFFFFE000  }
0x4a: {  	_ =	swait.ge [sflag:s17], $0x2000  }
0x4b: {  	[sflag:s17] =	ssyncset.done $0x0  }
0x4c: {  	[sflag:s17] =	ssyncadd.s32 $0xFFFFE000  }
0x4d: {  	_ =	swait.ge [sflag:s17], $0x2000  }
0x4e: {  	[sflag:s17] =	ssyncset.done $0x0  }
0x4f: {  	[sflag:s17] =	ssyncadd.s32 $0xFFFFE000  }
0x50: {  	_ =	swait.ge [sflag:s17], $0x2000  }
0x51: {  	[sflag:s17] =	ssyncset.done $0x0  }
0x52: {  	s19 =	simm.s32 $0x0;
	[sflag:s17] =	ssyncadd.s32 $0xFFFFE000  }
0x53: {  	v1 =	vld [tilespmem:s19+$0x6400]  }
0x54: {  	v3 =	vld [tilespmem:s19+$0x6410]  }
0x55: {  	s20 =	simm.s32 $0x100;
	v2 =	vld [tilespmem:s19+$0x6420]  }
.LBB2_6:
0x56: {  	p0 =	sne.s32 s20, $0x1FF00;
	v4 =	vld [tilespmem:s19+$0x6430];
	_ =	sdelay $0x1  }
0x57: {  	v1 =	vmul.f32 $1.999999960e-02, v1  }
.Ltmp2:
0x58: {  	v3 =	vmul.f32 $1.999999960e-02, v3;
	(pc) =	sbr.rel @p0 .LBB2_6-.Ltmp2, $4  }
0x59: {  	s21 =	sshra.s32 s20, $0x2;
	[tilespmem:s19+$0x6400] =	vst v1;
	v2 =	vmul.f32 $1.999999960e-02, v2  }
0x5a: {  	v1 =	vld [tilespmem:s21+$0x6400];
	[tilespmem:s19+$0x6410] =	vst v3;
	v4 =	vmul.f32 $1.999999960e-02, v4  }
0x5b: {  	v3 =	vld [tilespmem:s21+$0x6410];
	[tilespmem:s19+$0x6420] =	vst v2  }
0x5c: {  	s20 =	sadd.s32 $0x100, s20;
	v2 =	vld [tilespmem:s21+$0x6420];
	[tilespmem:s19+$0x6430] =	vst v4;
	s19 =	smov.u32 s21  }
0x5d: {  	v4 =	vld [tilespmem:s19+$0x6430];
	_ =	sdelay $0x1  }
0x5e: {  	v1 =	vmul.f32 $1.999999960e-02, v1  }
0x5f: {  	v3 =	vmul.f32 $1.999999960e-02, v3  }
0x60: {  	[tilespmem:s19+$0x6400] =	vst v1;
	v1 =	vmul.f32 $1.999999960e-02, v2  }
0x61: {  	s18 =	sadd.s32 $0x1, s18;
	[tilespmem:s19+$0x6410] =	vst v3;
	v2 =	vmul.f32 $1.999999960e-02, v4  }
0x62: {  	p0 =	sne.s32 s18, s6;
	[tilespmem:s19+$0x6420] =	vst v1  }
.Ltmp3:
0x63: {  	[tilespmem:s19+$0x6430] =	vst v2;
	(pc) =	sbr.rel @p0 .LBB2_1-.Ltmp3, $4  }
0x64: {  	[hbm4b:s5+s2] =	stream.linear.scatter [tilespmem:s9], [sflag:$0x2], $0x8000, $0x38;
	[tilespmem:$0xE400] =	vst v63  }
0x65: {  	_ =	swait.ge [sflag:s7], $0x8000  }
0x66: {  	[sflag:s7] =	ssyncset.done $0x0  }
0x67: {  	[sflag:s7] =	ssyncadd.s32 $0xFFFF8000  }
0x68: {  	_ =	sfence.sel $0x180000  }
0x69: {  	[bflag:$0x0] =	sbarrier.arrive $0xFFFF  }
0x6a: {  	p0 =	sne.s32 s0, $0x0;
	_ =	strace $0x90000047  }
0x6b: {  	s0 =	sadd.s32 @!p0 $0x100000, s1;
	[bflag:$0x2] =	sbarrier.arrive $0xFFFF  }
0x6c: {  	[sflag:s0] =	ssyncadd.tile.s32 @!p0 $0x1;
	_ =	shalt  }
.Lfunc_end2:
_tile_overlayer_lowered:
.L_overlay_start_2:
0x6d: {  	(tag) =	ssettag $0x2  }
0x6e: {  	s0 =	rddreg [dreg:$0x0];
	s2 =	stileid.u32  }
0x6f: {  	s1 =	rddreg [dreg:$0x1];
	p0 =	sne.s32 s2, $0x0  }
0x70: {  	s3 =	rddreg [dreg:$0x2];
	[bflag:$0x3] =	sbarrier.arrive $0xFFFF;
	s2 =	simm.s32 @!p0 $0x1C02  }
0x71: {  	[timem:s3], [sflag:s2] =	dma.local @!p0 [hbm:s0], s1  }
0x72: {  	s0 =	simm.s32 @!p0 $0x2  }
0x73: {  	_ =	swait.ge @!p0 [sflag:s0], s1  }
0x74: {  	s1 =	ssub.s32 @!p0 $0x0, s1;
	[sflag:s0] =	ssyncset.done @!p0 $0x0  }
0x75: {  	[sflag:s0] =	ssyncadd.s32 @!p0 s1  }
0x76: {  	[bflag:$0x3] =	sbarrier.arrive $0xFFFF  }
0x77: {  	_ =	shalt  }

</sc_bundles>
